<compile_context>
chip_gen: v7x
topology: tpu7x:2x2x1
jax: 0.10.2.dev20260603
libtpu: 0.0.44.dev20260713+nightly
codegen_flags: <defaults>
</compile_context>

<pallas_src>
import functools
import math

import jax
import jax.numpy as jnp
import numpy as np
from jax import lax
from jax.experimental import pallas as pl
from jax.experimental.pallas import tpu as pltpu
from jax.experimental.pallas import tpu_sc as plsc

TAU_FEAT = 0.2
TAU_SIM = 0.1
EPS = 1e-12
A_ATTN, A_ENT, A_MUT = 1.0, 0.4, 0.6
K_MAX = 64
TOK_TILE = 256
IDX_PAD = 128
RECIP_H = np.float32(0.083333336)


def _score_kernel(attn_ref, xt_ref, idx_ref):
    xt = xt_ref[0]
    C, Nt = xt.shape
    b = pl.program_id(0)

    t = xt / jnp.float32(TAU_FEAT)
    m = jnp.max(t, axis=0, keepdims=True)
    e = jnp.exp(t - m)
    p = e / jnp.sum(e, axis=0, keepdims=True)
    p = jnp.maximum(p, jnp.float32(EPS))
    hent = -jnp.sum(p * jnp.log(p), axis=0, keepdims=True) / math.log(C + EPS)

    nrm = jnp.sqrt(jnp.sum(xt * xt, axis=0, keepdims=True)) + jnp.float32(EPS)
    zt = xt / nrm

    ent_tiles = []
    for t0 in range(0, Nt, TOK_TILE):
        ztt = zt[:, t0:t0 + TOK_TILE]
        st = jax.lax.dot_general(zt, ztt, (((0,), (0,)), ((), ())),
                                 preferred_element_type=jnp.float32)
        rows = jax.lax.broadcasted_iota(jnp.int32, st.shape, 0)
        cols = jax.lax.broadcasted_iota(jnp.int32, st.shape, 1) + t0
        st = jnp.where(rows == cols, jnp.float32(-1e9), st)
        a = st / jnp.float32(TAU_SIM)
        m2 = jnp.max(a, axis=0, keepdims=True)
        e2 = jnp.exp(a - m2)
        q = e2 / jnp.sum(e2, axis=0, keepdims=True)
        q = jnp.maximum(q, jnp.float32(EPS))
        ent_tiles.append(-jnp.sum(q * jnp.log(q), axis=0, keepdims=True))
    hsim = jnp.concatenate(ent_tiles, axis=1) / math.log(Nt + EPS)
    mut = 1.0 - hsim

    v = attn_ref[0]
    tot = v[0:1]
    for h in range(1, v.shape[0]):
        tot = tot + v[h:h + 1]
    s_attn = tot * RECIP_H

    S = jnp.concatenate([s_attn.T, hent.T, mut.T], axis=1)
    means = jnp.sum(S, axis=0, keepdims=True) / jnp.float32(Nt)
    D = S - means
    std = jnp.sqrt(jnp.sum(D * D, axis=0, keepdims=True)
                   / jnp.float32(Nt - 1)) + jnp.float32(EPS)
    Zs = D / std
    fused = ((A_ATTN * Zs[:, 0:1] + A_ENT * Zs[:, 1:2])
             + A_MUT * Zs[:, 2:3]).T

    ii = jax.lax.broadcasted_iota(jnp.int32, (1, Nt), 1)
    slot = jax.lax.broadcasted_iota(jnp.int32, (1, IDX_PAD), 1)

    def body(k, carry):
        w, acc = carry
        mval = jnp.max(w)
        idx = jnp.min(jnp.where(w == mval, ii, Nt))
        acc = jnp.where(slot == k + 1, idx + 1, acc)
        return jnp.where(ii == idx, -jnp.inf, w), acc

    acc0 = jnp.zeros((1, IDX_PAD), jnp.int32)
    _, acc = jax.lax.fori_loop(0, K_MAX, body, (fused, acc0))
    idx_ref[...] = (acc + b * (Nt + 1))[None]


def _make_sc_gather(n_idx, C):
    info = plsc.get_sparse_core_info()
    NC, NS = info.num_cores, info.num_subcores
    NW = NC * NS
    assert n_idx % (8 * NW) == 0
    per_w = n_idx // NW
    mesh = plsc.VectorSubcoreMesh(core_axis_name="c", subcore_axis_name="s")

    @functools.partial(
        pl.kernel, mesh=mesh,
        out_type=jax.ShapeDtypeStruct((n_idx, C), jnp.float32),
        scratch_types=[
            pltpu.VMEM((per_w,), jnp.int32),
            pltpu.VMEM((per_w, C), jnp.float32),
            pltpu.SemaphoreType.DMA,
        ],
    )
    def gather_k(table_hbm, idx_hbm, out_hbm, idx_v, rows_v, sem):
        wid = lax.axis_index("s") * NC + lax.axis_index("c")
        base = wid * per_w
        pltpu.sync_copy(idx_hbm.at[pl.ds(base, per_w)], idx_v)
        pltpu.async_copy(table_hbm.at[idx_v], rows_v, sem).wait()
        pltpu.sync_copy(rows_v, out_hbm.at[pl.ds(base, per_w)])

    return gather_k


def kernel(hidden, attn, keys):
    B, N, C = hidden.shape
    H = attn.shape[1]
    Nt = N - 1
    attn_cls = attn[:, :, 0, 1:]
    xt = jnp.swapaxes(keys[:, 1:, :], 1, 2)

    idx = pl.pallas_call(
        _score_kernel,
        grid=(B,),
        in_specs=[
            pl.BlockSpec((1, H, Nt), lambda b: (b, 0, 0)),
            pl.BlockSpec((1, C, Nt), lambda b: (b, 0, 0)),
        ],
        out_specs=pl.BlockSpec((1, 1, IDX_PAD), lambda b: (b, 0, 0)),
        out_shape=jax.ShapeDtypeStruct((B, 1, IDX_PAD), jnp.int32),
    )(attn_cls, xt)

    C_PAD = 256
    table = jnp.pad(hidden.reshape(B * N, C), ((0, 0), (0, C_PAD - C)))
    flat_idx = idx.reshape(B * IDX_PAD)
    gathered = _make_sc_gather(B * IDX_PAD, C_PAD)(table, flat_idx)
    g = gathered.reshape(B, IDX_PAD, C_PAD)
    return g[:, :1 + K_MAX, :C]

# --- scband reference (transcript-rebuilt; emitter-appended) ---
"""Pipeline reference for scband-vision-zip-compressor-28278064677485 (READ-ONLY COPY).

The authoritative reference and input builder live on the scoring server;
editing this copy changes nothing except your own understanding.
"""

import jax, jax.numpy as jnp
import numpy as np
import math

B, N, C, H = 4, 1025, 192, 12
TAU_FEAT = 0.2
TAU_SIM = 0.1
EPS = 1e-12
A_ATTN, A_ENT, A_MUT = 1.0, 0.4, 0.6
K_MAX = 64


def _normalize_l2(x, eps=1e-12):
    return x / (jnp.linalg.norm(x, axis=-1, keepdims=True) + eps)


def _safe_softmax(x, tau, eps=1e-12):
    return jnp.clip(jax.nn.softmax(x / max(tau, eps), axis=-1), eps, None)


def _zscore(x, eps=1e-12):
    m = x.mean(axis=1, keepdims=True)
    s = x.std(axis=1, keepdims=True, ddof=1) + eps
    return (x - m) / s


def setup_inputs(seed: int = 0) -> dict:
    key = jax.random.key(seed)
    k1, k2, k3 = jax.random.split(key, 3)
    hidden = jax.random.normal(k1, (B, N, C), dtype=jnp.float32)
    attn = jax.random.uniform(k2, (B, H, N, N), dtype=jnp.float32)
    keys = jax.random.normal(k3, (B, N, C), dtype=jnp.float32)
    return {"hidden": hidden, "attn": attn, "keys": keys}


def reference(hidden, attn, keys):
    # LayerwiseHybridScorer._single_layer_hybrid (single scoring layer, no gating)
    s_attn = attn[:, :, 0, 1:].mean(axis=1)              # [B, N-1] CLS-attention score
    x = keys[:, 1:, :].astype(jnp.float32)               # [B, N-1, C]
    p = _safe_softmax(x, TAU_FEAT, EPS)
    Hent = -(p * jnp.log(p)).sum(axis=-1) / math.log(x.shape[-1] + EPS)
    z = _normalize_l2(x, EPS)
    sim = jnp.einsum('bnc,bmc->bnm', z, z)               # [B, N-1, N-1]
    n1 = sim.shape[-1]
    eye = jnp.eye(n1, dtype=bool)[None, :, :]
    sim = jnp.where(eye, -1e9, sim)
    q = _safe_softmax(sim, TAU_SIM, EPS)
    Hsim = -(q * jnp.log(q)).sum(axis=-1) / math.log(n1 + EPS)
    I = 1.0 - Hsim
    fused = A_ATTN * _zscore(s_attn, EPS) + A_ENT * _zscore(Hent, EPS) + A_MUT * _zscore(I, EPS)
    # dominant token selection (skip_ctx_merge=True in default cfg): CLS + top-k_max tokens
    vals, idx = jax.lax.top_k(fused, K_MAX)              # [B, K]
    dominant = jnp.take_along_axis(hidden[:, 1:, :], idx[:, :, None], axis=1)  # [B, K, C]
    out = jnp.concatenate([hidden[:, :1, :], dominant], axis=1)                # [B, 1+K, C]
    return out

if __name__ == "__main__":
    import jax
    _d = setup_inputs()
    print(jax.jit(kernel)(*tuple(_d.values())))

</pallas_src>

<mosaic_0001>
#map = affine_map<(d0, d1) -> (0, 0)>
#map1 = affine_map<(d0, d1) -> (0)>
module attributes {stable_mosaic.version = 14 : i64} {
  func.func @gather_k(%arg0: i32, %arg1: i32, %arg2: memref<4100x256xf32, #tpu.memory_space<hbm>>, %arg3: memref<512xi32, #tpu.memory_space<hbm>>, %arg4: memref<512x256xf32, #tpu.memory_space<hbm>>, %arg5: memref<16xi32, #tpu.memory_space<vmem>>, %arg6: memref<16x256xf32, #tpu.memory_space<vmem>>, %arg7: memref<!tpu.dma_semaphore, #tpu.memory_space<semaphore_mem>>) attributes {dimension_semantics = [#tpu.dimension_semantics<core_parallel>, #tpu.dimension_semantics<subcore_parallel>], iteration_bounds = array<i64: 2, 16>, scalar_prefetch = 0 : i64, scratch_operands = 3 : i64, tpu.core_type = #tpu.core_type<sc_vector_subcore>, window_params = [{transform_indices = #map}, {transform_indices = #map1}, {transform_indices = #map}]} {
    %mul3A = arith.constant 2 : i32
    %mul3A_0 = arith.muli %arg1, %mul3A : i32
    %add3A = arith.addi %mul3A_0, %arg0 : i32
    %mul3A_1 = arith.constant 16 : i32
    %mul3A_2 = arith.muli %add3A, %mul3A_1 : i32
    "tpu.region"() ({
      %run_scoped3A = tpu.sem_alloc : memref<!tpu.dma_semaphore, #tpu.memory_space<semaphore_mem>>
      %dma_start3A_7 = tpu.memref_slice %arg3[%mul3A_2] : memref<512xi32, #tpu.memory_space<hbm>> -> memref<16xi32, #tpu.memory_space<hbm>>
      %dma_start3A_8 = tpu.memref_slice %arg3[%mul3A_2] : memref<512xi32, #tpu.memory_space<hbm>> -> memref<16xi32, #tpu.memory_space<hbm>>
      tpu.enqueue_dma source(%dma_start3A_8 : memref<16xi32, #tpu.memory_space<hbm>>) target(%arg5 : memref<16xi32, #tpu.memory_space<vmem>>) target_semaphore(%run_scoped3A : memref<!tpu.dma_semaphore, #tpu.memory_space<semaphore_mem>>)
      %dma_wait3A_9 = tpu.memref_slice %arg3[%mul3A_2] : memref<512xi32, #tpu.memory_space<hbm>> -> memref<16xi32, #tpu.memory_space<hbm>>
      %dma_wait3A_10 = tpu.memref_slice %arg3[%mul3A_2] : memref<512xi32, #tpu.memory_space<hbm>> -> memref<16xi32, #tpu.memory_space<hbm>>
      tpu.wait_dma2 semaphore(%run_scoped3A : memref<!tpu.dma_semaphore, #tpu.memory_space<semaphore_mem>>) src(%dma_wait3A_10 : memref<16xi32, #tpu.memory_space<hbm>>) dst(%arg5 : memref<16xi32, #tpu.memory_space<vmem>>)
      tpu.yield
    }) : () -> ()
    %dma_start3A = arith.constant 0 : i32
    %dma_start3A_3 = arith.constant 0 : i32
    %dma_start3A_4 = tpu.memref_slice %arg2[%dma_start3A, %dma_start3A_3] : memref<4100x256xf32, #tpu.memory_space<hbm>> -> memref<4100x256xf32, #tpu.memory_space<hbm>>
    tpu.enqueue_indirect_dma source(%dma_start3A_4 : memref<4100x256xf32, #tpu.memory_space<hbm>>) target(%arg6 : memref<16x256xf32, #tpu.memory_space<vmem>>) offsets(%arg5 : memref<16xi32, #tpu.memory_space<vmem>>) semaphore(%arg7 : memref<!tpu.dma_semaphore, #tpu.memory_space<semaphore_mem>>)
    %dma_wait3A = arith.constant 0 : i32
    %dma_wait3A_5 = arith.constant 0 : i32
    %dma_wait3A_6 = tpu.memref_slice %arg2[%dma_wait3A, %dma_wait3A_5] : memref<4100x256xf32, #tpu.memory_space<hbm>> -> memref<4100x256xf32, #tpu.memory_space<hbm>>
    tpu.wait_indirect_dma semaphore(%arg7 : memref<!tpu.dma_semaphore, #tpu.memory_space<semaphore_mem>>) src(%dma_wait3A_6 : memref<4100x256xf32, #tpu.memory_space<hbm>>) dst(%arg6 : memref<16x256xf32, #tpu.memory_space<vmem>>)
    "tpu.region"() ({
      %run_scoped3A = tpu.sem_alloc : memref<!tpu.dma_semaphore, #tpu.memory_space<semaphore_mem>>
      %dma_start3A_7 = arith.constant 0 : i32
      %dma_start3A_8 = tpu.memref_slice %arg4[%mul3A_2, %dma_start3A_7] : memref<512x256xf32, #tpu.memory_space<hbm>> -> memref<16x256xf32, #tpu.memory_space<hbm>>
      %dma_start3A_9 = arith.constant 0 : i32
      %dma_start3A_10 = tpu.memref_slice %arg4[%mul3A_2, %dma_start3A_9] : memref<512x256xf32, #tpu.memory_space<hbm>> -> memref<16x256xf32, #tpu.memory_space<hbm>>
      tpu.enqueue_dma source(%arg6 : memref<16x256xf32, #tpu.memory_space<vmem>>) target(%dma_start3A_10 : memref<16x256xf32, #tpu.memory_space<hbm>>) target_semaphore(%run_scoped3A : memref<!tpu.dma_semaphore, #tpu.memory_space<semaphore_mem>>)
      %dma_wait3A_11 = arith.constant 0 : i32
      %dma_wait3A_12 = tpu.memref_slice %arg4[%mul3A_2, %dma_wait3A_11] : memref<512x256xf32, #tpu.memory_space<hbm>> -> memref<16x256xf32, #tpu.memory_space<hbm>>
      %dma_wait3A_13 = arith.constant 0 : i32
      %dma_wait3A_14 = tpu.memref_slice %arg4[%mul3A_2, %dma_wait3A_13] : memref<512x256xf32, #tpu.memory_space<hbm>> -> memref<16x256xf32, #tpu.memory_space<hbm>>
      tpu.wait_dma2 semaphore(%run_scoped3A : memref<!tpu.dma_semaphore, #tpu.memory_space<semaphore_mem>>) src(%arg6 : memref<16x256xf32, #tpu.memory_space<vmem>>) dst(%dma_wait3A_14 : memref<16x256xf32, #tpu.memory_space<hbm>>)
      tpu.yield
    }) : () -> ()
    return
  }
}

module attributes {stable_mosaic.version = 14 : i64} {
  func.func @_score_kernel(%arg0: i32, %arg1: memref<1x12x1024xf32, #tpu.memory_space<vmem>>, %arg2: memref<1x192x1024xf32, #tpu.memory_space<vmem>>, %arg3: memref<1x1x128xi32, #tpu.memory_space<vmem>>) attributes {dimension_semantics = [#tpu.dimension_semantics<arbitrary>], iteration_bounds = array<i64: 4>, scalar_prefetch = 0 : i64, scratch_operands = 0 : i64, tpu.core_type = #tpu.core_type<tc>, window_params = [{transform_indices = @transform_0, window_bounds = array<i64: 1, 12, 1024>}, {transform_indices = @transform_1, window_bounds = array<i64: 1, 192, 1024>}, {transform_indices = @transform_2, window_bounds = array<i64: 1, 1, 128>}]} {
    %get3A = arith.constant 0 : index
    %get3A_0 = arith.constant 0 : index
    %get3A_1 = arith.constant 0 : index
    %get3A_2 = vector.load %arg2[%get3A, %get3A_0, %get3A_1] : memref<1x192x1024xf32, #tpu.memory_space<vmem>>, vector<1x192x1024xf32>
    %get3A_3 = vector.shape_cast %get3A_2 : vector<1x192x1024xf32> to vector<192x1024xf32>
    %div3A = arith.constant 2.000000e-01 : f32
    %div3A_4 = vector.broadcast %div3A : f32 to vector<192x1024xf32>
    %div3A_5 = arith.divf %get3A_3, %div3A_4 : vector<192x1024xf32>
    %reduce_max3A = arith.constant dense<0xFF800000> : vector<1024xf32>
    %reduce_max3A_6 = vector.multi_reduction <maximumf>, %div3A_5, %reduce_max3A [0] : vector<192x1024xf32> to vector<1024xf32>
    %broadcast_in_dim3A = vector.shape_cast %reduce_max3A_6 : vector<1024xf32> to vector<1x1024xf32>
    %sub3A = vector.broadcast %broadcast_in_dim3A : vector<1x1024xf32> to vector<192x1024xf32>
    %sub3A_7 = arith.subf %div3A_5, %sub3A : vector<192x1024xf32>
    %exp3A = math.exp %sub3A_7 : vector<192x1024xf32>
    %reduce_sum3A = arith.constant dense<0.000000e+00> : vector<1024xf32>
    %reduce_sum3A_8 = vector.multi_reduction <add>, %exp3A, %reduce_sum3A [0] : vector<192x1024xf32> to vector<1024xf32>
    %broadcast_in_dim3A_9 = vector.shape_cast %reduce_sum3A_8 : vector<1024xf32> to vector<1x1024xf32>
    %div3A_10 = vector.broadcast %broadcast_in_dim3A_9 : vector<1x1024xf32> to vector<192x1024xf32>
    %div3A_11 = arith.divf %exp3A, %div3A_10 : vector<192x1024xf32>
    %max3A = arith.constant 9.99999996E-13 : f32
    %max3A_12 = vector.broadcast %max3A : f32 to vector<192x1024xf32>
    %max3A_13 = arith.maximumf %div3A_11, %max3A_12 : vector<192x1024xf32>
    %log3A = math.log %max3A_13 : vector<192x1024xf32>
    %mul3A = arith.mulf %max3A_13, %log3A : vector<192x1024xf32>
    %reduce_sum3A_14 = arith.constant dense<0.000000e+00> : vector<1024xf32>
    %reduce_sum3A_15 = vector.multi_reduction <add>, %mul3A, %reduce_sum3A_14 [0] : vector<192x1024xf32> to vector<1024xf32>
    %broadcast_in_dim3A_16 = vector.shape_cast %reduce_sum3A_15 : vector<1024xf32> to vector<1x1024xf32>
    %neg3A = arith.constant 0.000000e+00 : f32
    %neg3A_17 = vector.broadcast %neg3A : f32 to vector<1x1024xf32>
    %neg3A_18 = arith.subf %neg3A_17, %broadcast_in_dim3A_16 : vector<1x1024xf32>
    %div3A_19 = arith.constant 5.2574954 : f32
    %div3A_20 = vector.broadcast %div3A_19 : f32 to vector<1x1024xf32>
    %div3A_21 = arith.divf %neg3A_18, %div3A_20 : vector<1x1024xf32>
    %mul3A_22 = arith.mulf %get3A_3, %get3A_3 : vector<192x1024xf32>
    %reduce_sum3A_23 = arith.constant dense<0.000000e+00> : vector<1024xf32>
    %reduce_sum3A_24 = vector.multi_reduction <add>, %mul3A_22, %reduce_sum3A_23 [0] : vector<192x1024xf32> to vector<1024xf32>
    %broadcast_in_dim3A_25 = vector.shape_cast %reduce_sum3A_24 : vector<1024xf32> to vector<1x1024xf32>
    %sqrt3A = math.sqrt %broadcast_in_dim3A_25 : vector<1x1024xf32>
    %add3A = arith.constant 9.99999996E-13 : f32
    %add3A_26 = vector.broadcast %add3A : f32 to vector<1x1024xf32>
    %add3A_27 = arith.addf %sqrt3A, %add3A_26 : vector<1x1024xf32>
    %div3A_28 = vector.broadcast %add3A_27 : vector<1x1024xf32> to vector<192x1024xf32>
    %div3A_29 = arith.divf %get3A_3, %div3A_28 : vector<192x1024xf32>
    %slice3A = vector.extract_strided_slice %div3A_29 {offsets = [0, 0], sizes = [192, 256], strides = [1, 1]} : vector<192x1024xf32> to vector<192x256xf32>
    %dot_general3A = arith.constant dense<0.000000e+00> : vector<1024x256xf32>
    %dot_general3A_30 = tpu.matmul %div3A_29, %slice3A, %dot_general3A {dimension_numbers = #tpu.dot_dimension_numbers<[0], [0], [1], [1], [0, 1, 1, 1], [], []>, transpose_lhs_hint = false} : vector<192x1024xf32>, vector<192x256xf32>, vector<1024x256xf32> -> vector<1024x256xf32>
    %iota3A = tpu.iota {dimensions = array<i32: 0>} : vector<1024x256xi32>
    %iota3A_31 = tpu.iota {dimensions = array<i32: 1>} : vector<1024x256xi32>
    %add3A_32 = arith.constant 0 : i32
    %add3A_33 = vector.broadcast %add3A_32 : i32 to vector<1024x256xi32>
    %add3A_34 = arith.addi %iota3A_31, %add3A_33 : vector<1024x256xi32>
    %eq3A = arith.cmpi eq, %iota3A, %add3A_34 : vector<1024x256xi32>
    %jit3A = arith.constant -1.000000e+09 : f32
    %broadcast_in_dim3A_35 = vector.broadcast %jit3A : f32 to vector<1024x256xf32>
    %select_n3A = arith.select %eq3A, %broadcast_in_dim3A_35, %dot_general3A_30 : vector<1024x256xi1>, vector<1024x256xf32>
    %div3A_36 = arith.constant 1.000000e-01 : f32
    %div3A_37 = vector.broadcast %div3A_36 : f32 to vector<1024x256xf32>
    %div3A_38 = arith.divf %select_n3A, %div3A_37 : vector<1024x256xf32>
    %reduce_max3A_39 = arith.constant dense<0xFF800000> : vector<256xf32>
    %reduce_max3A_40 = vector.multi_reduction <maximumf>, %div3A_38, %reduce_max3A_39 [0] : vector<1024x256xf32> to vector<256xf32>
    %broadcast_in_dim3A_41 = vector.shape_cast %reduce_max3A_40 : vector<256xf32> to vector<1x256xf32>
    %sub3A_42 = vector.broadcast %broadcast_in_dim3A_41 : vector<1x256xf32> to vector<1024x256xf32>
    %sub3A_43 = arith.subf %div3A_38, %sub3A_42 : vector<1024x256xf32>
    %exp3A_44 = math.exp %sub3A_43 : vector<1024x256xf32>
    %reduce_sum3A_45 = arith.constant dense<0.000000e+00> : vector<256xf32>
    %reduce_sum3A_46 = vector.multi_reduction <add>, %exp3A_44, %reduce_sum3A_45 [0] : vector<1024x256xf32> to vector<256xf32>
    %broadcast_in_dim3A_47 = vector.shape_cast %reduce_sum3A_46 : vector<256xf32> to vector<1x256xf32>
    %div3A_48 = vector.broadcast %broadcast_in_dim3A_47 : vector<1x256xf32> to vector<1024x256xf32>
    %div3A_49 = arith.divf %exp3A_44, %div3A_48 : vector<1024x256xf32>
    %max3A_50 = arith.constant 9.99999996E-13 : f32
    %max3A_51 = vector.broadcast %max3A_50 : f32 to vector<1024x256xf32>
    %max3A_52 = arith.maximumf %div3A_49, %max3A_51 : vector<1024x256xf32>
    %log3A_53 = math.log %max3A_52 : vector<1024x256xf32>
    %mul3A_54 = arith.mulf %max3A_52, %log3A_53 : vector<1024x256xf32>
    %reduce_sum3A_55 = arith.constant dense<0.000000e+00> : vector<256xf32>
    %reduce_sum3A_56 = vector.multi_reduction <add>, %mul3A_54, %reduce_sum3A_55 [0] : vector<1024x256xf32> to vector<256xf32>
    %broadcast_in_dim3A_57 = vector.shape_cast %reduce_sum3A_56 : vector<256xf32> to vector<1x256xf32>
    %neg3A_58 = arith.constant 0.000000e+00 : f32
    %neg3A_59 = vector.broadcast %neg3A_58 : f32 to vector<1x256xf32>
    %neg3A_60 = arith.subf %neg3A_59, %broadcast_in_dim3A_57 : vector<1x256xf32>
    %slice3A_61 = vector.extract_strided_slice %div3A_29 {offsets = [0, 256], sizes = [192, 256], strides = [1, 1]} : vector<192x1024xf32> to vector<192x256xf32>
    %dot_general3A_62 = arith.constant dense<0.000000e+00> : vector<1024x256xf32>
    %dot_general3A_63 = tpu.matmul %div3A_29, %slice3A_61, %dot_general3A_62 {dimension_numbers = #tpu.dot_dimension_numbers<[0], [0], [1], [1], [0, 1, 1, 1], [], []>, transpose_lhs_hint = false} : vector<192x1024xf32>, vector<192x256xf32>, vector<1024x256xf32> -> vector<1024x256xf32>
    %iota3A_64 = tpu.iota {dimensions = array<i32: 0>} : vector<1024x256xi32>
    %iota3A_65 = tpu.iota {dimensions = array<i32: 1>} : vector<1024x256xi32>
    %add3A_66 = arith.constant 256 : i32
    %add3A_67 = vector.broadcast %add3A_66 : i32 to vector<1024x256xi32>
    %add3A_68 = arith.addi %iota3A_65, %add3A_67 : vector<1024x256xi32>
    %eq3A_69 = arith.cmpi eq, %iota3A_64, %add3A_68 : vector<1024x256xi32>
    %jit3A_70 = arith.constant -1.000000e+09 : f32
    %broadcast_in_dim3A_71 = vector.broadcast %jit3A_70 : f32 to vector<1024x256xf32>
    %select_n3A_72 = arith.select %eq3A_69, %broadcast_in_dim3A_71, %dot_general3A_63 : vector<1024x256xi1>, vector<1024x256xf32>
    %div3A_73 = arith.constant 1.000000e-01 : f32
    %div3A_74 = vector.broadcast %div3A_73 : f32 to vector<1024x256xf32>
    %div3A_75 = arith.divf %select_n3A_72, %div3A_74 : vector<1024x256xf32>
    %reduce_max3A_76 = arith.constant dense<0xFF800000> : vector<256xf32>
    %reduce_max3A_77 = vector.multi_reduction <maximumf>, %div3A_75, %reduce_max3A_76 [0] : vector<1024x256xf32> to vector<256xf32>
    %broadcast_in_dim3A_78 = vector.shape_cast %reduce_max3A_77 : vector<256xf32> to vector<1x256xf32>
    %sub3A_79 = vector.broadcast %broadcast_in_dim3A_78 : vector<1x256xf32> to vector<1024x256xf32>
    %sub3A_80 = arith.subf %div3A_75, %sub3A_79 : vector<1024x256xf32>
    %exp3A_81 = math.exp %sub3A_80 : vector<1024x256xf32>
    %reduce_sum3A_82 = arith.constant dense<0.000000e+00> : vector<256xf32>
    %reduce_sum3A_83 = vector.multi_reduction <add>, %exp3A_81, %reduce_sum3A_82 [0] : vector<1024x256xf32> to vector<256xf32>
    %broadcast_in_dim3A_84 = vector.shape_cast %reduce_sum3A_83 : vector<256xf32> to vector<1x256xf32>
    %div3A_85 = vector.broadcast %broadcast_in_dim3A_84 : vector<1x256xf32> to vector<1024x256xf32>
    %div3A_86 = arith.divf %exp3A_81, %div3A_85 : vector<1024x256xf32>
    %max3A_87 = arith.constant 9.99999996E-13 : f32
    %max3A_88 = vector.broadcast %max3A_87 : f32 to vector<1024x256xf32>
    %max3A_89 = arith.maximumf %div3A_86, %max3A_88 : vector<1024x256xf32>
    %log3A_90 = math.log %max3A_89 : vector<1024x256xf32>
    %mul3A_91 = arith.mulf %max3A_89, %log3A_90 : vector<1024x256xf32>
    %reduce_sum3A_92 = arith.constant dense<0.000000e+00> : vector<256xf32>
    %reduce_sum3A_93 = vector.multi_reduction <add>, %mul3A_91, %reduce_sum3A_92 [0] : vector<1024x256xf32> to vector<256xf32>
    %broadcast_in_dim3A_94 = vector.shape_cast %reduce_sum3A_93 : vector<256xf32> to vector<1x256xf32>
    %neg3A_95 = arith.constant 0.000000e+00 : f32
    %neg3A_96 = vector.broadcast %neg3A_95 : f32 to vector<1x256xf32>
    %neg3A_97 = arith.subf %neg3A_96, %broadcast_in_dim3A_94 : vector<1x256xf32>
    %slice3A_98 = vector.extract_strided_slice %div3A_29 {offsets = [0, 512], sizes = [192, 256], strides = [1, 1]} : vector<192x1024xf32> to vector<192x256xf32>
    %dot_general3A_99 = arith.constant dense<0.000000e+00> : vector<1024x256xf32>
    %dot_general3A_100 = tpu.matmul %div3A_29, %slice3A_98, %dot_general3A_99 {dimension_numbers = #tpu.dot_dimension_numbers<[0], [0], [1], [1], [0, 1, 1, 1], [], []>, transpose_lhs_hint = false} : vector<192x1024xf32>, vector<192x256xf32>, vector<1024x256xf32> -> vector<1024x256xf32>
    %iota3A_101 = tpu.iota {dimensions = array<i32: 0>} : vector<1024x256xi32>
    %iota3A_102 = tpu.iota {dimensions = array<i32: 1>} : vector<1024x256xi32>
    %add3A_103 = arith.constant 512 : i32
    %add3A_104 = vector.broadcast %add3A_103 : i32 to vector<1024x256xi32>
    %add3A_105 = arith.addi %iota3A_102, %add3A_104 : vector<1024x256xi32>
    %eq3A_106 = arith.cmpi eq, %iota3A_101, %add3A_105 : vector<1024x256xi32>
    %jit3A_107 = arith.constant -1.000000e+09 : f32
    %broadcast_in_dim3A_108 = vector.broadcast %jit3A_107 : f32 to vector<1024x256xf32>
    %select_n3A_109 = arith.select %eq3A_106, %broadcast_in_dim3A_108, %dot_general3A_100 : vector<1024x256xi1>, vector<1024x256xf32>
    %div3A_110 = arith.constant 1.000000e-01 : f32
    %div3A_111 = vector.broadcast %div3A_110 : f32 to vector<1024x256xf32>
    %div3A_112 = arith.divf %select_n3A_109, %div3A_111 : vector<1024x256xf32>
    %reduce_max3A_113 = arith.constant dense<0xFF800000> : vector<256xf32>
    %reduce_max3A_114 = vector.multi_reduction <maximumf>, %div3A_112, %reduce_max3A_113 [0] : vector<1024x256xf32> to vector<256xf32>
    %broadcast_in_dim3A_115 = vector.shape_cast %reduce_max3A_114 : vector<256xf32> to vector<1x256xf32>
    %sub3A_116 = vector.broadcast %broadcast_in_dim3A_115 : vector<1x256xf32> to vector<1024x256xf32>
    %sub3A_117 = arith.subf %div3A_112, %sub3A_116 : vector<1024x256xf32>
    %exp3A_118 = math.exp %sub3A_117 : vector<1024x256xf32>
    %reduce_sum3A_119 = arith.constant dense<0.000000e+00> : vector<256xf32>
    %reduce_sum3A_120 = vector.multi_reduction <add>, %exp3A_118, %reduce_sum3A_119 [0] : vector<1024x256xf32> to vector<256xf32>
    %broadcast_in_dim3A_121 = vector.shape_cast %reduce_sum3A_120 : vector<256xf32> to vector<1x256xf32>
    %div3A_122 = vector.broadcast %broadcast_in_dim3A_121 : vector<1x256xf32> to vector<1024x256xf32>
    %div3A_123 = arith.divf %exp3A_118, %div3A_122 : vector<1024x256xf32>
    %max3A_124 = arith.constant 9.99999996E-13 : f32
    %max3A_125 = vector.broadcast %max3A_124 : f32 to vector<1024x256xf32>
    %max3A_126 = arith.maximumf %div3A_123, %max3A_125 : vector<1024x256xf32>
    %log3A_127 = math.log %max3A_126 : vector<1024x256xf32>
    %mul3A_128 = arith.mulf %max3A_126, %log3A_127 : vector<1024x256xf32>
    %reduce_sum3A_129 = arith.constant dense<0.000000e+00> : vector<256xf32>
    %reduce_sum3A_130 = vector.multi_reduction <add>, %mul3A_128, %reduce_sum3A_129 [0] : vector<1024x256xf32> to vector<256xf32>
    %broadcast_in_dim3A_131 = vector.shape_cast %reduce_sum3A_130 : vector<256xf32> to vector<1x256xf32>
    %neg3A_132 = arith.constant 0.000000e+00 : f32
    %neg3A_133 = vector.broadcast %neg3A_132 : f32 to vector<1x256xf32>
    %neg3A_134 = arith.subf %neg3A_133, %broadcast_in_dim3A_131 : vector<1x256xf32>
    %slice3A_135 = vector.extract_strided_slice %div3A_29 {offsets = [0, 768], sizes = [192, 256], strides = [1, 1]} : vector<192x1024xf32> to vector<192x256xf32>
    %dot_general3A_136 = arith.constant dense<0.000000e+00> : vector<1024x256xf32>
    %dot_general3A_137 = tpu.matmul %div3A_29, %slice3A_135, %dot_general3A_136 {dimension_numbers = #tpu.dot_dimension_numbers<[0], [0], [1], [1], [0, 1, 1, 1], [], []>, transpose_lhs_hint = false} : vector<192x1024xf32>, vector<192x256xf32>, vector<1024x256xf32> -> vector<1024x256xf32>
    %iota3A_138 = tpu.iota {dimensions = array<i32: 0>} : vector<1024x256xi32>
    %iota3A_139 = tpu.iota {dimensions = array<i32: 1>} : vector<1024x256xi32>
    %add3A_140 = arith.constant 768 : i32
    %add3A_141 = vector.broadcast %add3A_140 : i32 to vector<1024x256xi32>
    %add3A_142 = arith.addi %iota3A_139, %add3A_141 : vector<1024x256xi32>
    %eq3A_143 = arith.cmpi eq, %iota3A_138, %add3A_142 : vector<1024x256xi32>
    %jit3A_144 = arith.constant -1.000000e+09 : f32
    %broadcast_in_dim3A_145 = vector.broadcast %jit3A_144 : f32 to vector<1024x256xf32>
    %select_n3A_146 = arith.select %eq3A_143, %broadcast_in_dim3A_145, %dot_general3A_137 : vector<1024x256xi1>, vector<1024x256xf32>
    %div3A_147 = arith.constant 1.000000e-01 : f32
    %div3A_148 = vector.broadcast %div3A_147 : f32 to vector<1024x256xf32>
    %div3A_149 = arith.divf %select_n3A_146, %div3A_148 : vector<1024x256xf32>
    %reduce_max3A_150 = arith.constant dense<0xFF800000> : vector<256xf32>
    %reduce_max3A_151 = vector.multi_reduction <maximumf>, %div3A_149, %reduce_max3A_150 [0] : vector<1024x256xf32> to vector<256xf32>
    %broadcast_in_dim3A_152 = vector.shape_cast %reduce_max3A_151 : vector<256xf32> to vector<1x256xf32>
    %sub3A_153 = vector.broadcast %broadcast_in_dim3A_152 : vector<1x256xf32> to vector<1024x256xf32>
    %sub3A_154 = arith.subf %div3A_149, %sub3A_153 : vector<1024x256xf32>
    %exp3A_155 = math.exp %sub3A_154 : vector<1024x256xf32>
    %reduce_sum3A_156 = arith.constant dense<0.000000e+00> : vector<256xf32>
    %reduce_sum3A_157 = vector.multi_reduction <add>, %exp3A_155, %reduce_sum3A_156 [0] : vector<1024x256xf32> to vector<256xf32>
    %broadcast_in_dim3A_158 = vector.shape_cast %reduce_sum3A_157 : vector<256xf32> to vector<1x256xf32>
    %div3A_159 = vector.broadcast %broadcast_in_dim3A_158 : vector<1x256xf32> to vector<1024x256xf32>
    %div3A_160 = arith.divf %exp3A_155, %div3A_159 : vector<1024x256xf32>
    %max3A_161 = arith.constant 9.99999996E-13 : f32
    %max3A_162 = vector.broadcast %max3A_161 : f32 to vector<1024x256xf32>
    %max3A_163 = arith.maximumf %div3A_160, %max3A_162 : vector<1024x256xf32>
    %log3A_164 = math.log %max3A_163 : vector<1024x256xf32>
    %mul3A_165 = arith.mulf %max3A_163, %log3A_164 : vector<1024x256xf32>
    %reduce_sum3A_166 = arith.constant dense<0.000000e+00> : vector<256xf32>
    %reduce_sum3A_167 = vector.multi_reduction <add>, %mul3A_165, %reduce_sum3A_166 [0] : vector<1024x256xf32> to vector<256xf32>
    %broadcast_in_dim3A_168 = vector.shape_cast %reduce_sum3A_167 : vector<256xf32> to vector<1x256xf32>
    %neg3A_169 = arith.constant 0.000000e+00 : f32
    %neg3A_170 = vector.broadcast %neg3A_169 : f32 to vector<1x256xf32>
    %neg3A_171 = arith.subf %neg3A_170, %broadcast_in_dim3A_168 : vector<1x256xf32>
    %concatenate3A = tpu.concatenate %neg3A_60, %neg3A_97, %neg3A_134, %neg3A_171 in 1 : vector<1x256xf32>, vector<1x256xf32>, vector<1x256xf32>, vector<1x256xf32> -> vector<1x1024xf32>
    %div3A_172 = arith.constant 6.93147182 : f32
    %div3A_173 = vector.broadcast %div3A_172 : f32 to vector<1x1024xf32>
    %div3A_174 = arith.divf %concatenate3A, %div3A_173 : vector<1x1024xf32>
    %sub3A_175 = arith.constant 1.000000e+00 : f32
    %sub3A_176 = vector.broadcast %sub3A_175 : f32 to vector<1x1024xf32>
    %sub3A_177 = arith.subf %sub3A_176, %div3A_174 : vector<1x1024xf32>
    %get3A_178 = arith.constant 0 : index
    %get3A_179 = arith.constant 0 : index
    %get3A_180 = arith.constant 0 : index
    %get3A_181 = vector.load %arg1[%get3A_178, %get3A_179, %get3A_180] : memref<1x12x1024xf32, #tpu.memory_space<vmem>>, vector<1x12x1024xf32>
    %get3A_182 = vector.shape_cast %get3A_181 : vector<1x12x1024xf32> to vector<12x1024xf32>
    %slice3A_183 = vector.extract_strided_slice %get3A_182 {offsets = [0, 0], sizes = [1, 1024], strides = [1, 1]} : vector<12x1024xf32> to vector<1x1024xf32>
    %slice3A_184 = vector.extract_strided_slice %get3A_182 {offsets = [1, 0], sizes = [1, 1024], strides = [1, 1]} : vector<12x1024xf32> to vector<1x1024xf32>
    %add3A_185 = arith.addf %slice3A_183, %slice3A_184 : vector<1x1024xf32>
    %slice3A_186 = vector.extract_strided_slice %get3A_182 {offsets = [2, 0], sizes = [1, 1024], strides = [1, 1]} : vector<12x1024xf32> to vector<1x1024xf32>
    %add3A_187 = arith.addf %add3A_185, %slice3A_186 : vector<1x1024xf32>
    %slice3A_188 = vector.extract_strided_slice %get3A_182 {offsets = [3, 0], sizes = [1, 1024], strides = [1, 1]} : vector<12x1024xf32> to vector<1x1024xf32>
    %add3A_189 = arith.addf %add3A_187, %slice3A_188 : vector<1x1024xf32>
    %slice3A_190 = vector.extract_strided_slice %get3A_182 {offsets = [4, 0], sizes = [1, 1024], strides = [1, 1]} : vector<12x1024xf32> to vector<1x1024xf32>
    %add3A_191 = arith.addf %add3A_189, %slice3A_190 : vector<1x1024xf32>
    %slice3A_192 = vector.extract_strided_slice %get3A_182 {offsets = [5, 0], sizes = [1, 1024], strides = [1, 1]} : vector<12x1024xf32> to vector<1x1024xf32>
    %add3A_193 = arith.addf %add3A_191, %slice3A_192 : vector<1x1024xf32>
    %slice3A_194 = vector.extract_strided_slice %get3A_182 {offsets = [6, 0], sizes = [1, 1024], strides = [1, 1]} : vector<12x1024xf32> to vector<1x1024xf32>
    %add3A_195 = arith.addf %add3A_193, %slice3A_194 : vector<1x1024xf32>
    %slice3A_196 = vector.extract_strided_slice %get3A_182 {offsets = [7, 0], sizes = [1, 1024], strides = [1, 1]} : vector<12x1024xf32> to vector<1x1024xf32>
    %add3A_197 = arith.addf %add3A_195, %slice3A_196 : vector<1x1024xf32>
    %slice3A_198 = vector.extract_strided_slice %get3A_182 {offsets = [8, 0], sizes = [1, 1024], strides = [1, 1]} : vector<12x1024xf32> to vector<1x1024xf32>
    %add3A_199 = arith.addf %add3A_197, %slice3A_198 : vector<1x1024xf32>
    %slice3A_200 = vector.extract_strided_slice %get3A_182 {offsets = [9, 0], sizes = [1, 1024], strides = [1, 1]} : vector<12x1024xf32> to vector<1x1024xf32>
    %add3A_201 = arith.addf %add3A_199, %slice3A_200 : vector<1x1024xf32>
    %slice3A_202 = vector.extract_strided_slice %get3A_182 {offsets = [10, 0], sizes = [1, 1024], strides = [1, 1]} : vector<12x1024xf32> to vector<1x1024xf32>
    %add3A_203 = arith.addf %add3A_201, %slice3A_202 : vector<1x1024xf32>
    %slice3A_204 = vector.extract_strided_slice %get3A_182 {offsets = [11, 0], sizes = [1, 1024], strides = [1, 1]} : vector<12x1024xf32> to vector<1x1024xf32>
    %add3A_205 = arith.addf %add3A_203, %slice3A_204 : vector<1x1024xf32>
    %mul3A_206 = arith.constant 0.0833333358 : f32
    %mul3A_207 = vector.broadcast %mul3A_206 : f32 to vector<1x1024xf32>
    %mul3A_208 = arith.mulf %add3A_205, %mul3A_207 : vector<1x1024xf32>
    %transpose3A = tpu.transpose %mul3A_208, [1, 0] : vector<1x1024xf32> -> vector<1024x1xf32>
    %transpose3A_209 = tpu.transpose %div3A_21, [1, 0] : vector<1x1024xf32> -> vector<1024x1xf32>
    %transpose3A_210 = tpu.transpose %sub3A_177, [1, 0] : vector<1x1024xf32> -> vector<1024x1xf32>
    %concatenate3A_211 = tpu.concatenate %transpose3A, %transpose3A_209, %transpose3A_210 in 1 : vector<1024x1xf32>, vector<1024x1xf32>, vector<1024x1xf32> -> vector<1024x3xf32>
    %reduce_sum3A_212 = arith.constant dense<0.000000e+00> : vector<3xf32>
    %reduce_sum3A_213 = vector.multi_reduction <add>, %concatenate3A_211, %reduce_sum3A_212 [0] : vector<1024x3xf32> to vector<3xf32>
    %broadcast_in_dim3A_214 = vector.shape_cast %reduce_sum3A_213 : vector<3xf32> to vector<1x3xf32>
    %div3A_215 = arith.constant 1.024000e+03 : f32
    %div3A_216 = vector.broadcast %div3A_215 : f32 to vector<1x3xf32>
    %div3A_217 = arith.divf %broadcast_in_dim3A_214, %div3A_216 : vector<1x3xf32>
    %sub3A_218 = vector.broadcast %div3A_217 : vector<1x3xf32> to vector<1024x3xf32>
    %sub3A_219 = arith.subf %concatenate3A_211, %sub3A_218 : vector<1024x3xf32>
    %mul3A_220 = arith.mulf %sub3A_219, %sub3A_219 : vector<1024x3xf32>
    %reduce_sum3A_221 = arith.constant dense<0.000000e+00> : vector<3xf32>
    %reduce_sum3A_222 = vector.multi_reduction <add>, %mul3A_220, %reduce_sum3A_221 [0] : vector<1024x3xf32> to vector<3xf32>
    %broadcast_in_dim3A_223 = vector.shape_cast %reduce_sum3A_222 : vector<3xf32> to vector<1x3xf32>
    %div3A_224 = arith.constant 1.023000e+03 : f32
    %div3A_225 = vector.broadcast %div3A_224 : f32 to vector<1x3xf32>
    %div3A_226 = arith.divf %broadcast_in_dim3A_223, %div3A_225 : vector<1x3xf32>
    %sqrt3A_227 = math.sqrt %div3A_226 : vector<1x3xf32>
    %add3A_228 = arith.constant 9.99999996E-13 : f32
    %add3A_229 = vector.broadcast %add3A_228 : f32 to vector<1x3xf32>
    %add3A_230 = arith.addf %sqrt3A_227, %add3A_229 : vector<1x3xf32>
    %div3A_231 = vector.broadcast %add3A_230 : vector<1x3xf32> to vector<1024x3xf32>
    %div3A_232 = arith.divf %sub3A_219, %div3A_231 : vector<1024x3xf32>
    %slice3A_233 = vector.extract_strided_slice %div3A_232 {offsets = [0, 0], sizes = [1024, 1], strides = [1, 1]} : vector<1024x3xf32> to vector<1024x1xf32>
    %mul3A_234 = arith.constant 1.000000e+00 : f32
    %mul3A_235 = vector.broadcast %mul3A_234 : f32 to vector<1024x1xf32>
    %mul3A_236 = arith.mulf %mul3A_235, %slice3A_233 : vector<1024x1xf32>
    %slice3A_237 = vector.extract_strided_slice %div3A_232 {offsets = [0, 1], sizes = [1024, 1], strides = [1, 1]} : vector<1024x3xf32> to vector<1024x1xf32>
    %mul3A_238 = arith.constant 4.000000e-01 : f32
    %mul3A_239 = vector.broadcast %mul3A_238 : f32 to vector<1024x1xf32>
    %mul3A_240 = arith.mulf %mul3A_239, %slice3A_237 : vector<1024x1xf32>
    %add3A_241 = arith.addf %mul3A_236, %mul3A_240 : vector<1024x1xf32>
    %slice3A_242 = vector.extract_strided_slice %div3A_232 {offsets = [0, 2], sizes = [1024, 1], strides = [1, 1]} : vector<1024x3xf32> to vector<1024x1xf32>
    %mul3A_243 = arith.constant 6.000000e-01 : f32
    %mul3A_244 = vector.broadcast %mul3A_243 : f32 to vector<1024x1xf32>
    %mul3A_245 = arith.mulf %mul3A_244, %slice3A_242 : vector<1024x1xf32>
    %add3A_246 = arith.addf %add3A_241, %mul3A_245 : vector<1024x1xf32>
    %transpose3A_247 = tpu.transpose %add3A_246, [1, 0] : vector<1024x1xf32> -> vector<1x1024xf32>
    %iota3A_248 = tpu.iota {dimensions = array<i32: 1>} : vector<1x1024xi32>
    %iota3A_249 = tpu.iota {dimensions = array<i32: 1>} : vector<1x128xi32>
    %broadcast_in_dim3A_250 = arith.constant 0 : i32
    %broadcast_in_dim3A_251 = vector.broadcast %broadcast_in_dim3A_250 : i32 to vector<1x128xi32>
    %scan3A = arith.constant 0 : i32
    %scan3A_252 = arith.constant 64 : i32
    %scan3A_253 = arith.addi %scan3A, %scan3A_252 : i32
    %scan3A_254 = arith.constant 1 : i32
    %scan3A_255:2 = scf.for %scan3A_265 = %scan3A to %scan3A_253 step %scan3A_254 iter_args(%scan3A_266 = %transpose3A_247, %scan3A_267 = %broadcast_in_dim3A_251) -> (vector<1x1024xf32>, vector<1x128xi32>)  : i32 {
      %reduce_max3A_268 = vector.shape_cast %scan3A_266 : vector<1x1024xf32> to vector<1x1x1024xf32>
      %reduce_max3A_269 = arith.constant dense<0xFF800000> : vector<1xf32>
      %reduce_max3A_270 = vector.multi_reduction <maximumf>, %reduce_max3A_268, %reduce_max3A_269 [1, 2] : vector<1x1x1024xf32> to vector<1xf32>
      %reduce_max3A_271 = vector.shape_cast %reduce_max3A_270 : vector<1xf32> to vector<1x1x1xf32>
      %reduce_max3A_272 = vector.extract %reduce_max3A_271[0, 0, 0] : f32 from vector<1x1x1xf32>
      %eq3A_273 = vector.broadcast %reduce_max3A_272 : f32 to vector<1x1024xf32>
      %eq3A_274 = arith.cmpf oeq, %scan3A_266, %eq3A_273 : vector<1x1024xf32>
      %jit3A_275 = arith.constant 1024 : i32
      %broadcast_in_dim3A_276 = vector.broadcast %jit3A_275 : i32 to vector<1x1024xi32>
      %select_n3A_277 = arith.select %eq3A_274, %iota3A_248, %broadcast_in_dim3A_276 : vector<1x1024xi1>, vector<1x1024xi32>
      %reduce_min3A = vector.shape_cast %select_n3A_277 : vector<1x1024xi32> to vector<1x1x1024xi32>
      %reduce_min3A_278 = arith.constant dense<2147483647> : vector<1xi32>
      %reduce_min3A_279 = vector.multi_reduction <minsi>, %reduce_min3A, %reduce_min3A_278 [1, 2] : vector<1x1x1024xi32> to vector<1xi32>
      %reduce_min3A_280 = vector.shape_cast %reduce_min3A_279 : vector<1xi32> to vector<1x1x1xi32>
      %reduce_min3A_281 = vector.extract %reduce_min3A_280[0, 0, 0] : i32 from vector<1x1x1xi32>
      %add3A_282 = arith.constant 1 : i32
      %add3A_283 = arith.addi %scan3A_265, %add3A_282 : i32
      %eq3A_284 = vector.broadcast %add3A_283 : i32 to vector<1x128xi32>
      %eq3A_285 = arith.cmpi eq, %iota3A_249, %eq3A_284 : vector<1x128xi32>
      %add3A_286 = arith.constant 1 : i32
      %add3A_287 = arith.addi %reduce_min3A_281, %add3A_286 : i32
      %broadcast_in_dim3A_288 = vector.broadcast %add3A_287 : i32 to vector<1x128xi32>
      %select_n3A_289 = arith.select %eq3A_285, %broadcast_in_dim3A_288, %scan3A_267 : vector<1x128xi1>, vector<1x128xi32>
      %eq3A_290 = vector.broadcast %reduce_min3A_281 : i32 to vector<1x1024xi32>
      %eq3A_291 = arith.cmpi eq, %iota3A_248, %eq3A_290 : vector<1x1024xi32>
      %jit3A_292 = arith.constant 0xFF800000 : f32
      %broadcast_in_dim3A_293 = vector.broadcast %jit3A_292 : f32 to vector<1x1024xf32>
      %select_n3A_294 = arith.select %eq3A_291, %broadcast_in_dim3A_293, %scan3A_266 : vector<1x1024xi1>, vector<1x1024xf32>
      scf.yield %select_n3A_294, %select_n3A_289 : vector<1x1024xf32>, vector<1x128xi32>
    }
    %scan3A_256 = arith.constant 64 : i32
    %mul3A_257 = arith.constant 1025 : i32
    %mul3A_258 = arith.muli %arg0, %mul3A_257 : i32
    %add3A_259 = vector.broadcast %mul3A_258 : i32 to vector<1x128xi32>
    %add3A_260 = arith.addi %scan3A_255#1, %add3A_259 : vector<1x128xi32>
    %broadcast_in_dim3A_261 = vector.shape_cast %add3A_260 : vector<1x128xi32> to vector<1x1x128xi32>
    %swap3A = arith.constant 0 : index
    %swap3A_262 = arith.constant 0 : index
    %swap3A_263 = arith.constant 0 : index
    %swap3A_264 = vector.load %arg3[%swap3A, %swap3A_262, %swap3A_263] : memref<1x1x128xi32, #tpu.memory_space<vmem>>, vector<1x1x128xi32>
    tpu.vector_store %arg3[%swap3A, %swap3A_262, %swap3A_263], %broadcast_in_dim3A_261 {strides = array<i32>} : memref<1x1x128xi32, #tpu.memory_space<vmem>>, vector<1x1x128xi32>,
    return
  }
  func.func @transform_0(%arg0: i32) -> (i32, i32, i32) {
    %c0_i32 = arith.constant 0 : i32
    %c0_i32_0 = arith.constant 0 : i32
    %c0_i32_1 = arith.constant 0 : i32
    return %arg0, %c0_i32, %c0_i32_0 : i32, i32, i32
  }
  func.func @transform_1(%arg0: i32) -> (i32, i32, i32) {
    %c0_i32 = arith.constant 0 : i32
    %c0_i32_0 = arith.constant 0 : i32
    %c0_i32_1 = arith.constant 0 : i32
    return %arg0, %c0_i32, %c0_i32_0 : i32, i32, i32
  }
  func.func @transform_2(%arg0: i32) -> (i32, i32, i32) {
    %c0_i32 = arith.constant 0 : i32
    %c0_i32_0 = arith.constant 0 : i32
    %c0_i32_1 = arith.constant 0 : i32
    return %arg0, %c0_i32, %c0_i32_0 : i32, i32, i32
  }
}

</mosaic_0001>

<sc_bundles>
// kernel: kernel.4.cloned.1.call-start
scs
__scs_entry_jumppad:
0x0: {  	(pc) =	sbr.rel $0x88, $3  }
0x1: {  	(tag) =	ssettag $0x0;
	lr =	simm.s32 $0x1  }
0x2: {  	[smem:$0x3F9E] =	sst lr;
	_ =	strace $0xD0000000  }
0x3: {  	_ = 	snop  }
0x4: {  	_ = 	snop  }
0x5: {  	_ = 	snop  }
0x6: {  	_ = 	snop  }
0x7: {  	_ = 	snop  }
__scs_overlays_trampoline_lowered:
0x8: {  	[smem:$0x3FAD] =	sst s0  }
0x9: {  	[smem:$0x3FAE] =	sst s1  }
0xa: {  	[smem:$0x3FAF] =	sst s2  }
0xb: {  	[smem:$0x3FB0] =	sst s3  }
0xc: {  	[smem:$0x3FB1] =	sst s4  }
0xd: {  	[smem:$0x3FB2] =	sst s5  }
0xe: {  	[smem:$0x3FB3] =	sst s6  }
0xf: {  	[smem:$0x3FB4] =	sst s7  }
0x10: {  	[smem:$0x3FB5] =	sst s8  }
0x11: {  	[smem:$0x3FB6] =	sst s9;
	s0 =	simm.s32 @!p0 $0x0  }
0x12: {  	s1 =	sld [smem:$0x3F9C];
	s0 =	simm.s32 @p0 $0x1  }
0x13: {  	[smem:$0x3FB7] =	sst s0;
	s0 =	simm.s32 @!p1 $0x0  }
0x14: {  	s2 =	sld [smem:$0x3F9B];
	s0 =	simm.s32 @p1 $0x1  }
0x15: {  	[smem:$0x3FB8] =	sst s0;
	s0 =	simm.s32 @!p2 $0x0  }
0x16: {  	s3 =	sld [smem:$0x3FDB];
	s0 =	simm.s32 @p2 $0x1  }
0x17: {  	s4 =	simm.s32 $0x1BF5;
	[smem:$0x3FBA] =	sst s0  }
0x18: {  	s0 =	sld [smem:$0x3F9D];
	_ =	swait.ge [sflag:s4], $0x0  }
0x19: {  	s7 =	sld [smem:$0x3F9E]  }
0x1a: {  	s8 =	sadd.s32 $0xFFFFE003, lr  }
0x1b: {  	s9 =	sadd.s32 $0xFFFFFEF7, lr;
	s5 =	simm.s32 $0xFFFFFFFF;
	p2 =	slt.u32 s8, $0xFFFFF086  }
0x1c: {  	p1 =	slt.u32 s9, $0xF7A;
	s5 =	simm.s32 @!p2 $0x0  }
0x1d: {  	s5 =	simm.s32 @p1 $0x1;
	p0 =	seq.s32 s7, s2  }
0x1e: {  	s7 =	smul.u32 @!p0 $0xF7A, s2;
	p2 =	seq.s32 @!p0 s5, $0x0  }
0x1f: {  	s9 =	smul.u32 $0xF7A, s1;
	s8 =	simm.s32 @!p0 $0x1BF5;
	p2 =	por !p2, p0  }
0x20: {  	[sflag:s8] =	ssyncset.s32 @!p0 $0xFFFFF086;
	s6 =	sadd.s32 @!p0 s3, s7;
	s7 =	simm.s32 @!p0 $0x108  }
0x21: {  	s3 =	sadd.s32 s3, s9;
	s6 =	sadd.s32 @!p0 $0x88, s6;
	s7 =	simm.s32 @p2 $0x1082  }
0x22: {  	[simem:s7], [sflag:s8] =	dma.local @!p0 [hbm:s6], $0xF7A  }
0x23: {  	s9 =	sor.u32 $0xD0000000, s2;
	s6 =	simm.s32 $0x108;
	_ =	swait.ge @!p0 [sflag:s8], $0x0  }
0x24: {  	s3 =	sadd.s32 $0x88, s3;
	s6 =	simm.s32 @!p1 $0x1082;
	[sflag:s4] =	ssyncset.s32 $0xFFFFF086  }
0x25: {  	[simem:s6], [sflag:s4] =	dma.local [hbm:s3], $0xF7A  }
0x26: {  	[smem:$0x3F9E] =	sst s1;
	(tag) =	ssettag s2;
	_ =	strace s9  }
0x27: {  	s1 =	sld [smem:$0x3FAE]  }
0x28: {  	s2 =	sld [smem:$0x3FAF]  }
0x29: {  	s4 =	sld [smem:$0x3FB1]  }
0x2a: {  	p0 =	seq.s32 s5, $0x0;
	s5 =	sld [smem:$0x3FB2]  }
0x2b: {  	s6 =	sld [smem:$0x3FB3]  }
0x2c: {  	s7 =	sld [smem:$0x3FB4]  }
0x2d: {  	s3 =	simm.s32 $0x108;
	s8 =	sld [smem:$0x3FB5]  }
0x2e: {  	s3 =	simm.s32 @!p0 $0x1082;
	s9 =	sld [smem:$0x3FB6]  }
0x2f: {  	lr =	sadd.s32 s0, s3;
	s0 =	sld [smem:$0x3FAD]  }
0x30: {  	s3 =	sld [smem:$0x3FB0]  }
0x31: {  	[smem:$0x3FB9] =	sst s10  }
0x32: {  	s10 =	sld [smem:$0x3FB7];
	_ =	sdelay $0x3  }
0x33: {  	p0 =	seq.s32 s10, $0x1;
	s10 =	sld [smem:$0x3FB9];
	_ =	sdelay $0x3  }
0x34: {  	[smem:$0x3FB9] =	sst s10  }
0x35: {  	s10 =	sld [smem:$0x3FB8];
	_ =	sdelay $0x3  }
0x36: {  	p1 =	seq.s32 s10, $0x1;
	s10 =	sld [smem:$0x3FB9];
	_ =	sdelay $0x3  }
0x37: {  	[smem:$0x3FB9] =	sst s10  }
0x38: {  	s10 =	sld [smem:$0x3FBA]  }
0x39: {  	_ = 	snop;
	(pc) =	sbr.ind lr, $3  }
0x3a: {  	_ = 	snop  }
0x3b: {  	_ = 	snop  }
0x3c: {  	p2 =	seq.s32 s10, $0x1;
	s10 =	sld [smem:$0x3FB9]  }
0x3d: {  	_ =	shalt  }
0x3e: {  	_ =	shalt  }
0x3f: {  	_ =	shalt  }
0x40: {  	_ =	shalt  }
0x41: {  	_ =	shalt  }
0x42: {  	_ =	shalt  }
0x43: {  	_ =	shalt  }
0x44: {  	_ =	shalt  }
0x45: {  	_ =	shalt  }
0x46: {  	_ =	shalt  }
0x47: {  	_ =	shalt  }
0x48: {  	_ =	shalt  }
0x49: {  	_ =	shalt  }
0x4a: {  	_ =	shalt  }
0x4b: {  	_ =	shalt  }
0x4c: {  	_ =	shalt  }
0x4d: {  	_ =	shalt  }
0x4e: {  	_ =	shalt  }
0x4f: {  	_ =	shalt  }
0x50: {  	_ =	shalt  }
0x51: {  	_ =	shalt  }
0x52: {  	_ =	shalt  }
0x53: {  	_ =	shalt  }
0x54: {  	_ =	shalt  }
0x55: {  	_ =	shalt  }
0x56: {  	_ =	shalt  }
0x57: {  	_ =	shalt  }
0x58: {  	_ =	shalt  }
0x59: {  	_ =	shalt  }
0x5a: {  	_ =	shalt  }
0x5b: {  	_ =	shalt  }
0x5c: {  	_ =	shalt  }
0x5d: {  	_ =	shalt  }
0x5e: {  	_ =	shalt  }
0x5f: {  	_ =	shalt  }
0x60: {  	_ =	shalt  }
0x61: {  	_ =	shalt  }
0x62: {  	_ =	shalt  }
0x63: {  	_ =	shalt  }
0x64: {  	_ =	shalt  }
0x65: {  	_ =	shalt  }
0x66: {  	_ =	shalt  }
0x67: {  	_ =	shalt  }
0x68: {  	_ =	shalt  }
0x69: {  	_ =	shalt  }
0x6a: {  	_ =	shalt  }
0x6b: {  	_ =	shalt  }
0x6c: {  	_ =	shalt  }
0x6d: {  	_ =	shalt  }
0x6e: {  	_ =	shalt  }
0x6f: {  	_ =	shalt  }
0x70: {  	_ =	shalt  }
0x71: {  	_ =	shalt  }
0x72: {  	_ =	shalt  }
0x73: {  	_ =	shalt  }
0x74: {  	_ =	shalt  }
0x75: {  	_ =	shalt  }
0x76: {  	_ =	shalt  }
0x77: {  	_ =	shalt  }
0x78: {  	_ =	shalt  }
0x79: {  	_ =	shalt  }
0x7a: {  	_ =	shalt  }
0x7b: {  	_ =	shalt  }
0x7c: {  	_ =	shalt  }
0x7d: {  	_ =	shalt  }
0x7e: {  	_ =	shalt  }
0x7f: {  	_ =	shalt  }
0x80: {  	_ =	shalt  }
0x81: {  	_ =	shalt  }
0x82: {  	_ =	shalt  }
0x83: {  	_ =	shalt  }
0x84: {  	_ =	shalt  }
0x85: {  	_ =	shalt  }
0x86: {  	_ =	shalt  }
0x87: {  	_ =	shalt  }
.Lfunc_end0:
.L_simem_size_0:
called_computation_lowered:
.L_overlay_start_0:
0x88: {  	s2 =	sld [smem:$0x3FD9]  }
0x89: {  	s3 =	sld [smem:$0x3FFE];
	_ =	sdelay $0x1  }
0x8a: {  	s1 =	srdreg.scid  }
0x8b: {  	s0 =	sand.u32 $0x1, s1  }
0x8c: {  	s17 =	sshll.u32 s0, $0xA;
	s2 =	sadd.s32 s3, s2  }
0x8d: {  	s2 =	sadd.s32 s2, s17  }
0x8e: {  	[smem:$0x3FC5] =	sst s2  }
0x8f: {  	_ = 	snop  }
0x90: {  	s2 =	sld [smem:$0x3FD0];
	(tm) =	ssettm $0x1  }
0x91: {  	s18 =	sld [smem:$0x3FFB];
	_ =	sdelay $0x3  }
0x92: {  	_ =	strace s18  }
0x93: {  	s3 =	sld [smem:$0x3FFC];
	_ =	sdelay $0x3  }
0x94: {  	_ =	strace s3  }
0x95: {  	s3 =	sld [smem:$0x3FFD];
	_ =	sdelay $0x3  }
0x96: {  	_ =	strace s3  }
0x97: {  	_ =	strace $0x8FFFFFFF  }
0x98: {  	s19 =	sld [smem:$0x3FDB];
	_ =	sdelay $0x1  }
0x99: {  	s4 =	simm.s32 $_scs_section_size  }
0x9a: {  	s5 =	simm.s32 $_size__tile_overlayer_lowered;
	s6 =	simm.s32 $_tile_overlayer_lowered  }
0x9b: {  	s22 =	simm.s32 $0x1BFF;
	s21 =	sshll.u32 s6, $0x1;
	s3 =	sadd.s32 s4, s19  }
0x9c: {  	s7 =	simm.s32 $0x0;
	s20 =	sshll.u32 s5, $0x1;
	s5 =	sadd.s32 s21, s3  }
0x9d: {  	[timem:s7], [sflag:s22] =	dma.local [hbm:s5], s20  }
0x9e: {  	_ =	swait.ge [sflag:s22], s20  }
0x9f: {  	s4 =	ssub.s32 $0x0, s20;
	[sflag:s22] =	ssyncset.done $0x0  }
0xa0: {  	[sflag:s22] =	ssyncadd.s32 s4;
	_ =	sdelay $0x1  }
0xa1: {  	s23 =	simm.s32 $0x1B8B  }
0xa2: {  	_ =	swait.ge [sflag:s23], $0x1  }
0xa3: {  	[sflag:s23] =	ssyncset.done $0x0  }
0xa4: {  	s25 =	simm.s32 $0x1B8E;
	s24 =	sld [smem:$0x3FFE];
	[sflag:s23] =	ssyncadd.s32 $0xFFFFFFFF  }
0xa5: {  	s26 =	simm.s32 $execute0_lowered;
	[smem:$0x3FD2] =	sst s25  }
0xa6: {  	s5 =	sshll.u32 s26, $0x1;
	_ =	strace $0x80000046;
	[dreg:$0x1] =	wrdreg $0xFFFFFFFF  }
0xa7: {  	s28 =	simm.s32 $_size_execute0_lowered;
	s3 =	sadd.s32 s3, s5;
	[dreg:$0x0] =	wrdreg $0x0  }
0xa8: {  	s5 =	sshll.u32 s28, $0x1;
	[dreg:$0x2] =	wrdreg s3  }
0xa9: {  	[dreg:$0x3] =	wrdreg s5  }
0xaa: {  	[dreg:$0x4] =	wrdreg $0xC0  }
0xab: {  	_ =	task [dreg:s7], $0x5FFFF  }
0xac: {  	[dreg:$0x1] =	wrdreg $0xFFFFFFFF  }
0xad: {  	[dreg:$0x0] =	wrdreg $0x60  }
0xae: {  	[dreg:$0x2] =	wrdreg s24  }
0xaf: {  	[dreg:$0x3] =	wrdreg s2  }
0xb0: {  	[dreg:$0x4] =	wrdreg $0x9  }
0xb1: {  	_ =	task.clear_ibuf [dreg:s7], $0x5FFFF;
	_ =	strace $0x90000046  }
0xb2: {  	s29 =	simm.s32 $0x9;
	_ =	strace $0x80000048  }
0xb3: {  	_ =	swait.ge [sflag:s29], $0x1  }
0xb4: {  	[sflag:s29] =	ssyncadd.s32 $0xFFFFFFFF  }
0xb5: {  	_ =	strace $0x90000048  }
0xb6: {  	_ =	sfence  }
0xb7: {  	s30 =	sld [smem:$0x0];
	_ =	sdelay $0x2  }
0xb8: {  	s31 =	sshll.u32 s1, $0xD;
	s1 =	sshrl.u32 s1, $0x2  }
0xb9: {  	s3 =	sand.u32 $0x4000, s31;
	s1 =	sadd.s32 s1, s30  }
0xba: {  	s0 =	sor.u32 s3, s0;
	s1 =	sshll.u32 s1, $0x11  }
0xbb: {  	s0 =	sor.u32 s1, s0  }
0xbc: {  	s0 =	sadd.s32 $0x8F2B, s0  }
0xbd: {  	[sflag:s0] =	ssyncadd.remote.s32 $0x1  }
0xbe: {  	_ =	sfence.sel $0xFFFF  }
0xbf: {  	[dreg:$0x0] =	wrdreg $0xFFFFFFFF;
	(pc) =	sbr.abs _section_cstart, $3  }
0xc0: {  	[dreg:$0x1] =	wrdreg $0xFFFFFFFF  }
0xc1: {  	_ =	task.clear_ibuf [dreg:s7], $0x2FFFF;
	_ =	strace $0x9FFFFFFF  }
0xc2: {  	(tm) =	ssettm $0x7FFFFFFF  }
0xc3: {  	_ =	shalt  }
tec
execute0_lowered:
.L_overlay_start_1:
0x0: {  	(tag) =	ssettag $0x1  }
0x1: {  	s1 =	srdreg.scid  }
0x2: {  	s9 =	rddreg [dreg:$0x0];
	s0 =	stileid.u32;
	s7 =	sand.u32 $0x1, s1  }
0x3: {  	s3 =	rddreg [dreg:$0x1];
	s4 =	sshll.u32 s0, $0x5;
	s5 =	sshll.u32 s7, $0x4  }
0x4: {  	s2 =	simm.s32 $0x0;
	s1 =	rddreg [dreg:$0x2];
	s10 =	sor.u32 s5, s4  }
0x5: {  	[smem:$0x7FF] =	sst s2;
	s4 =	sshrl.u32 s10, $0x3  }
0x6: {  	_ =	strace $0x80000047;
	s4 =	sadd.s32 s3, s4;
	s3 =	simm.s32 $0x2  }
0x7: {  	[tilespmem:s2], [sflag:$0x2] =	stream.linear.gather [hbm4b:s4+s2], $0x10, $0x38;
	[tilespmem:$0x1080] =	vst v63  }
0x8: {  	_ =	swait.ge [sflag:s3], $0x10  }
0x9: {  	[sflag:s3] =	ssyncset.done $0x0  }
0xa: {  	[sflag:s3] =	ssyncadd.s32 $0xFFFFFFF0  }
0xb: {  	v0 =	vld [tilespmem:$0x0];
	_ =	sdelay $0x4  }
0xc: {  	v1 =	vshll.u32 v0, $0x1  }
0xd: {  	v2 =	vlaneseq.u32;
	v3 =	vand.u32 $0x7, v0;
	v1 =	vand.u32 $0xFFFFFFF0, v1  }
0xe: {  	v4 =	vshrl.u32 v2, $0x3;
	v0 =	vand.u32 $0x7, v2;
	v3 =	vor.u32 v3, v1  }
0xf: {  	v1 =	vmul.u32 $0x8, v4;
	v63 =	vperm.xlane v3, v0  }
0x10: {  	v2 =	vor.u32 $0x8, v2  }
0x11: {  	v3 =	vperm.xlane v3, v2;
	v4 =	vadd.s32 v1, v63;
	_ =	sdelay $0x1  }
0x12: {  	s11 =	ssub.s32 $0x2, s7;
	v3 =	vadd.s32 v1, v3  }
0x13: {  	s6 =	simm.s32 $0x80;
	s8 =	simm.s32 $0x1;
	s12 =	sshrl.u32 s11, $0x1  }
0x14: {  	vm0 =	vmmov $0xffff;
	s5 =	sadd.s32 $0x800, s9;
	s10 =	sshll.u32 s10, $0x5;
	s31 =	ssub.s32 s11, s12  }
0x15: {  	[tilespmem:s6], [sflag:$0x1] =	stream.indirect_vreg.gather [hbm4b:s5+s2], $0x80, v4, vm0, $0xb8;
	[tilespmem:$0x1080] =	vst v63  }
0x16: {  	s7 =	simm.s32 $0x880;
	s9 =	sadd.s32 s10, s9;
	s10 =	smax.u32 s31, $0x1  }
0x17: {  	[tilespmem:s7], [sflag:$0x1] =	stream.indirect_vreg.gather [hbm4b:s5+s2], $0x80, v3, vm0, $0xb8;
	[tilespmem:$0x1080] =	vst v63  }
0x18: {  	p0 =	sne.s32 s10, $0x1;
	_ =	swait.ge [sflag:s8], $0x1000  }
.Ltmp0:
0x19: {  	[sflag:s8] =	ssyncset.done $0x0;
	(pc) =	sbr.rel @!p0 .LBB2_2-.Ltmp0, $4  }
0x1a: {  	s9 =	sadd.s32 $0x20A00, s9;
	[sflag:s8] =	ssyncadd.s32 $0xFFFFF000  }
0x1b: {  	[hbm4b:s9+s2] =	stream.linear.scatter [tilespmem:s6], [sflag:$0x2], $0x1000, $0x38;
	[tilespmem:$0x1080] =	vst v63  }
0x1c: {  	_ =	swait.ge [sflag:s3], $0x1000  }
0x1d: {  	s10 =	sadd.s32 $0xFFFFFFFF, s10;
	[sflag:s3] =	ssyncset.done $0x0  }
.LBB2_1:
0x1e: {  	p0 =	sne.s32 s10, $0x1;
	s10 =	sadd.s32 $0xFFFFFFFF, s10;
	[sflag:s3] =	ssyncadd.s32 $0xFFFFF000  }
0x1f: {  	[tilespmem:s2], [sflag:$0x2] =	stream.linear.gather [hbm4b:s4+s2], $0x10, $0x38;
	[tilespmem:$0x1080] =	vst v63  }
0x20: {  	_ =	swait.ge [sflag:s3], $0x10  }
0x21: {  	[sflag:s3] =	ssyncset.done $0x0  }
0x22: {  	[sflag:s3] =	ssyncadd.s32 $0xFFFFFFF0  }
0x23: {  	v3 =	vld [tilespmem:$0x0];
	_ =	sdelay $0x4  }
0x24: {  	v4 =	vshll.u32 v3, $0x1  }
0x25: {  	v3 =	vand.u32 $0x7, v3;
	v4 =	vand.u32 $0xFFFFFFF0, v4  }
0x26: {  	v3 =	vor.u32 v3, v4  }
0x27: {  	v4 =	vperm.xlane v3, v0;
	v3 =	vperm.xlane v3, v2;
	_ =	sdelay $0x1  }
0x28: {  	v4 =	vadd.s32 v1, v4;
	_ =	sdelay $0x1  }
0x29: {  	v3 =	vadd.s32 v1, v3;
	_ =	sdelay $0x2  }
0x2a: {  	[tilespmem:s6], [sflag:$0x1] =	stream.indirect_vreg.gather [hbm4b:s5+s2], $0x80, v4, vm0, $0xb8;
	[tilespmem:$0x1080] =	vst v63  }
0x2b: {  	_ = 	snop  }
0x2c: {  	[tilespmem:s7], [sflag:$0x1] =	stream.indirect_vreg.gather [hbm4b:s5+s2], $0x80, v3, vm0, $0xb8;
	[tilespmem:$0x1080] =	vst v63  }
0x2d: {  	_ =	swait.ge [sflag:s8], $0x1000  }
.Ltmp1:
0x2e: {  	[sflag:s8] =	ssyncset.done $0x0;
	(pc) =	sbr.rel @p0 .LBB2_1-.Ltmp1, $4  }
0x2f: {  	[sflag:s8] =	ssyncadd.s32 $0xFFFFF000  }
0x30: {  	[hbm4b:s9+s2] =	stream.linear.scatter [tilespmem:s6], [sflag:$0x2], $0x1000, $0x38;
	[tilespmem:$0x1080] =	vst v63  }
0x31: {  	_ =	swait.ge [sflag:s3], $0x1000  }
0x32: {  	[sflag:s3] =	ssyncset.done $0x0  }
.LBB2_2:
0x33: {  	[sflag:s3] =	ssyncadd.s32 $0xFFFFF000  }
0x34: {  	_ =	sfence.sel $0x180000  }
0x35: {  	[bflag:$0x0] =	sbarrier.arrive $0xFFFF  }
0x36: {  	p0 =	sne.s32 s0, $0x0;
	_ =	strace $0x90000047  }
0x37: {  	s0 =	sadd.s32 @!p0 $0x100000, s1;
	[bflag:$0x2] =	sbarrier.arrive $0xFFFF  }
0x38: {  	[sflag:s0] =	ssyncadd.tile.s32 @!p0 $0x1;
	_ =	shalt  }
.Lfunc_end2:
_tile_overlayer_lowered:
.L_overlay_start_2:
0x39: {  	(tag) =	ssettag $0x2  }
0x3a: {  	s0 =	rddreg [dreg:$0x0];
	s2 =	stileid.u32  }
0x3b: {  	s1 =	rddreg [dreg:$0x1];
	p0 =	sne.s32 s2, $0x0  }
0x3c: {  	s3 =	rddreg [dreg:$0x2];
	[bflag:$0x3] =	sbarrier.arrive $0xFFFF;
	s2 =	simm.s32 @!p0 $0x1C02  }
0x3d: {  	[timem:s3], [sflag:s2] =	dma.local @!p0 [hbm:s0], s1  }
0x3e: {  	s0 =	simm.s32 @!p0 $0x2  }
0x3f: {  	_ =	swait.ge @!p0 [sflag:s0], s1  }
0x40: {  	s1 =	ssub.s32 @!p0 $0x0, s1;
	[sflag:s0] =	ssyncset.done @!p0 $0x0  }
0x41: {  	[sflag:s0] =	ssyncadd.s32 @!p0 s1  }
0x42: {  	[bflag:$0x3] =	sbarrier.arrive $0xFFFF  }
0x43: {  	_ =	shalt  }

</sc_bundles>
